<compile_context>
chip_gen: v7x
topology: tpu7x:2x2x1
jax: 0.10.2.dev20260603
libtpu: 0.0.44.dev20260713+nightly
codegen_flags: <defaults>
</compile_context>

<pallas_src>
import functools

import jax
import jax.numpy as jnp
from jax import lax
from jax.experimental import pallas as pl
from jax.experimental.pallas import tpu as pltpu
from jax.experimental.pallas import tpu_sc as plsc

N_NODES = 10000
D_FEAT = 128
NUM_GRAPHS = 256
GLOBAL_DIM = 64
HIDDEN_DIM = 256

N_WORKERS = 32
CHUNK = 312
TAIL = N_NODES - N_WORKERS * CHUNK
TAIL_BASE = N_WORKERS * CHUNK
PAD_N = 10240


def _sc_segment_sums(x, batch_i32, zeros_c):
    mesh = plsc.VectorSubcoreMesh(core_axis_name="c", subcore_axis_name="s")

    @functools.partial(
        pl.kernel,
        out_type=jax.ShapeDtypeStruct((2 * NUM_GRAPHS, D_FEAT), jnp.float32),
        mesh=mesh,
        scratch_types=(
            [pltpu.VMEM((CHUNK, D_FEAT), jnp.float32),
             pltpu.VMEM((CHUNK,), jnp.int32),
             pltpu.VMEM((TAIL, D_FEAT), jnp.float32),
             pltpu.VMEM((TAIL,), jnp.int32)]
            + [pltpu.SemaphoreType.DMA for _ in range(4)]
            + [pltpu.VMEM_SHARED((NUM_GRAPHS, D_FEAT), jnp.float32)]
        ),
    )
    def seg(x_hbm, b_hbm, z_hbm, sums_out,
            xv, iv, xt, it, sx, si, stx, sti,
            sums_sh):
        cid = lax.axis_index("c")
        sid = lax.axis_index("s")
        wid = cid * 16 + sid
        base = wid * CHUNK
        is_tail = wid == N_WORKERS - 1

        pltpu.async_copy(b_hbm.at[pl.ds(base, CHUNK)], iv, si)
        pltpu.async_copy(x_hbm.at[pl.ds(base, CHUNK)], xv, sx)

        @pl.when(is_tail)
        def _():
            pltpu.async_copy(b_hbm.at[pl.ds(TAIL_BASE, TAIL)], it, sti)
            pltpu.async_copy(x_hbm.at[pl.ds(TAIL_BASE, TAIL)], xt, stx)

        pltpu.sync_copy(z_hbm, sums_sh.at[pl.ds(sid * 16, 16)])
        plsc.subcore_barrier()

        pltpu.make_async_copy(b_hbm.at[pl.ds(base, CHUNK)], iv, si).wait()
        pltpu.make_async_copy(x_hbm.at[pl.ds(base, CHUNK)], xv, sx).wait()
        pltpu.async_copy(xv, sums_sh.at[iv], sx, add=True)

        @pl.when(is_tail)
        def _():
            pltpu.make_async_copy(
                b_hbm.at[pl.ds(TAIL_BASE, TAIL)], it, sti).wait()
            pltpu.make_async_copy(
                x_hbm.at[pl.ds(TAIL_BASE, TAIL)], xt, stx).wait()
            pltpu.async_copy(xt, sums_sh.at[it], stx, add=True)
            pltpu.make_async_copy(xt, sums_sh.at[it], stx).wait()

        pltpu.make_async_copy(xv, sums_sh.at[iv], sx).wait()

        plsc.subcore_barrier()
        row = cid * NUM_GRAPHS + sid * 16
        pltpu.sync_copy(sums_sh.at[pl.ds(sid * 16, 16)],
                        sums_out.at[pl.ds(row, 16)])

    return seg(x, batch_i32, zeros_c)


def _counts_body(b_ref, out_ref):
    b = b_ref[...]
    segcol = lax.broadcasted_iota(jnp.int32, (NUM_GRAPHS, 1), 0)
    onehot = (b == segcol).astype(jnp.float32)
    out_ref[...] = jnp.sum(onehot, axis=1, keepdims=True)


def _mlp_body(sums_ref, cnts_ref, u_ref, w1_ref, b1_ref, gamma_ref,
              beta_ref, w2_ref, b2_ref, out_ref):
    s = sums_ref[...]
    total = s[:NUM_GRAPHS] + s[NUM_GRAPHS:]
    cnt = cnts_ref[...]
    mean = total / jnp.maximum(cnt, 1.0)

    w1 = w1_ref[...]
    h = (jnp.dot(u_ref[...], w1[:GLOBAL_DIM], preferred_element_type=jnp.float32)
         + jnp.dot(mean, w1[GLOBAL_DIM:], preferred_element_type=jnp.float32)
         + b1_ref[...])
    mu = jnp.mean(h, axis=0, keepdims=True)
    var = jnp.mean((h - mu) ** 2, axis=0, keepdims=True)
    hn = (h - mu) * lax.rsqrt(var + 1e-5) * gamma_ref[...] + beta_ref[...]
    hn = jnp.maximum(hn, 0.0)
    out_ref[...] = (jnp.dot(hn, w2_ref[...], preferred_element_type=jnp.float32)
                    + b2_ref[...])


def kernel(x, edge_index, edge_attr, u, batch, W1, b1, gamma, beta, W2, b2):
    del edge_index, edge_attr
    batch_i32 = batch.astype(jnp.int32)
    zeros_c = jnp.zeros((16, D_FEAT), jnp.float32)
    batch_p = jnp.pad(batch_i32, (0, PAD_N - N_NODES),
                      constant_values=2**30).reshape(1, PAD_N)
    cnts = pl.pallas_call(
        _counts_body,
        out_shape=jax.ShapeDtypeStruct((NUM_GRAPHS, 1), jnp.float32),
    )(batch_p)
    sums = _sc_segment_sums(x, batch_i32, zeros_c)
    out = pl.pallas_call(
        _mlp_body,
        out_shape=jax.ShapeDtypeStruct((NUM_GRAPHS, GLOBAL_DIM), jnp.float32),
    )(sums, cnts, u, W1,
      b1.reshape(1, HIDDEN_DIM), gamma.reshape(1, HIDDEN_DIM),
      beta.reshape(1, HIDDEN_DIM), W2, b2.reshape(1, GLOBAL_DIM))
    return out

# --- scband reference (transcript-rebuilt; emitter-appended) ---
"""Pipeline reference for scband-global-block-4398046511957 (READ-ONLY COPY).

The authoritative reference and input builder live on the scoring server;
editing this copy changes nothing except your own understanding.
"""

import jax, jax.numpy as jnp
import numpy as np

N_NODES = 10000
N_EDGES = 320000
D_FEAT = 128
D_EDGE = 4
NUM_GRAPHS = 256
GLOBAL_DIM = 64
HIDDEN_DIM = 256


def setup_inputs(seed: int = 0) -> dict:
    key = jax.random.key(seed)
    ks = jax.random.split(key, 12)
    x = jax.random.normal(ks[0], (N_NODES, D_FEAT), dtype=jnp.float32)
    edge_index = jax.random.randint(ks[1], (2, N_EDGES), 0, N_NODES, dtype=jnp.int64)
    edge_attr = jax.random.normal(ks[2], (N_EDGES, D_EDGE), dtype=jnp.float32)
    u = jax.random.normal(ks[3], (NUM_GRAPHS, GLOBAL_DIM), dtype=jnp.float32)
    batch = jnp.sort(jax.random.randint(ks[4], (N_NODES,), 0, NUM_GRAPHS, dtype=jnp.int64))
    in_dim = D_FEAT + GLOBAL_DIM
    W1 = jax.random.normal(ks[5], (in_dim, HIDDEN_DIM), dtype=jnp.float32) * (1.0 / np.sqrt(in_dim))
    b1 = jnp.zeros((HIDDEN_DIM,), dtype=jnp.float32)
    gamma = jnp.ones((HIDDEN_DIM,), dtype=jnp.float32)
    beta = jnp.zeros((HIDDEN_DIM,), dtype=jnp.float32)
    W2 = jax.random.normal(ks[6], (HIDDEN_DIM, GLOBAL_DIM), dtype=jnp.float32) * (1.0 / np.sqrt(HIDDEN_DIM))
    b2 = jnp.zeros((GLOBAL_DIM,), dtype=jnp.float32)
    return {"x": x, "edge_index": edge_index, "edge_attr": edge_attr, "u": u, "batch": batch,
            "W1": W1, "b1": b1, "gamma": gamma, "beta": beta, "W2": W2, "b2": b2}


def reference(x, edge_index, edge_attr, u, batch, W1, b1, gamma, beta, W2, b2):
    num_seg = u.shape[0]
    # scatter(x, batch, dim=0, reduce='mean')
    sums = jax.ops.segment_sum(x, batch, num_segments=num_seg)
    counts = jax.ops.segment_sum(jnp.ones((x.shape[0],), dtype=x.dtype), batch, num_segments=num_seg)
    mean = sums / jnp.maximum(counts, 1.0)[:, None]
    out = jnp.concatenate([u, mean], axis=1)
    # Linear -> BatchNorm1d (training mode, biased var) -> ReLU -> Linear
    h = out @ W1 + b1
    mu = jnp.mean(h, axis=0)
    var = jnp.var(h, axis=0)
    h = (h - mu) / jnp.sqrt(var + 1e-5) * gamma + beta
    h = jax.nn.relu(h)
    return h @ W2 + b2

if __name__ == "__main__":
    import jax
    _d = setup_inputs()
    print(jax.jit(kernel)(*tuple(_d.values())))

</pallas_src>

<mosaic_0001>
#map = affine_map<(d0, d1) -> (0, 0)>
#map1 = affine_map<(d0, d1) -> (0)>
module attributes {stable_mosaic.version = 14 : i64} {
  func.func @seg(%arg0: i32, %arg1: i32, %arg2: memref<10000x128xf32, #tpu.memory_space<hbm>>, %arg3: memref<10000xi32, #tpu.memory_space<hbm>>, %arg4: memref<16x128xf32, #tpu.memory_space<hbm>>, %arg5: memref<512x128xf32, #tpu.memory_space<hbm>>, %arg6: memref<312x128xf32, #tpu.memory_space<vmem>>, %arg7: memref<312xi32, #tpu.memory_space<vmem>>, %arg8: memref<16x128xf32, #tpu.memory_space<vmem>>, %arg9: memref<16xi32, #tpu.memory_space<vmem>>, %arg10: memref<!tpu.dma_semaphore, #tpu.memory_space<semaphore_mem>>, %arg11: memref<!tpu.dma_semaphore, #tpu.memory_space<semaphore_mem>>, %arg12: memref<!tpu.dma_semaphore, #tpu.memory_space<semaphore_mem>>, %arg13: memref<!tpu.dma_semaphore, #tpu.memory_space<semaphore_mem>>, %arg14: memref<256x128xf32, #tpu.memory_space<vmem_shared>>) attributes {dimension_semantics = [#tpu.dimension_semantics<core_parallel>, #tpu.dimension_semantics<subcore_parallel>], iteration_bounds = array<i64: 2, 16>, scalar_prefetch = 0 : i64, scratch_operands = 9 : i64, tpu.core_type = #tpu.core_type<sc_vector_subcore>, window_params = [{transform_indices = #map}, {transform_indices = #map1}, {transform_indices = #map}, {transform_indices = #map}]} {
    %mul3A = arith.constant 16 : i32
    %mul3A_0 = arith.muli %arg0, %mul3A : i32
    %add3A = arith.addi %mul3A_0, %arg1 : i32
    %mul3A_1 = arith.constant 312 : i32
    %mul3A_2 = arith.muli %add3A, %mul3A_1 : i32
    %eq3A = arith.constant 31 : i32
    %eq3A_3 = arith.cmpi eq, %add3A, %eq3A : i32
    %dma_start3A = tpu.memref_slice %arg3[%mul3A_2] : memref<10000xi32, #tpu.memory_space<hbm>> -> memref<312xi32, #tpu.memory_space<hbm>>
    %dma_start3A_4 = tpu.memref_slice %arg3[%mul3A_2] : memref<10000xi32, #tpu.memory_space<hbm>> -> memref<312xi32, #tpu.memory_space<hbm>>
    tpu.enqueue_dma source(%dma_start3A_4 : memref<312xi32, #tpu.memory_space<hbm>>) target(%arg7 : memref<312xi32, #tpu.memory_space<vmem>>) target_semaphore(%arg11 : memref<!tpu.dma_semaphore, #tpu.memory_space<semaphore_mem>>)
    %dma_start3A_5 = arith.constant 0 : i32
    %dma_start3A_6 = tpu.memref_slice %arg2[%mul3A_2, %dma_start3A_5] : memref<10000x128xf32, #tpu.memory_space<hbm>> -> memref<312x128xf32, #tpu.memory_space<hbm>>
    %dma_start3A_7 = arith.constant 0 : i32
    %dma_start3A_8 = tpu.memref_slice %arg2[%mul3A_2, %dma_start3A_7] : memref<10000x128xf32, #tpu.memory_space<hbm>> -> memref<312x128xf32, #tpu.memory_space<hbm>>
    tpu.enqueue_dma source(%dma_start3A_8 : memref<312x128xf32, #tpu.memory_space<hbm>>) target(%arg6 : memref<312x128xf32, #tpu.memory_space<vmem>>) target_semaphore(%arg10 : memref<!tpu.dma_semaphore, #tpu.memory_space<semaphore_mem>>)
    %convert_element_type3A = arith.extui %eq3A_3 : i1 to i32
    %cond3A = arith.constant 0 : i32
    %cond3A_9 = arith.cmpi ne, %convert_element_type3A, %cond3A : i32
    scf.if %cond3A_9 {
      %dma_start3A_34 = arith.constant 9984 : i32
      %dma_start3A_35 = tpu.memref_slice %arg3[%dma_start3A_34] : memref<10000xi32, #tpu.memory_space<hbm>> -> memref<16xi32, #tpu.memory_space<hbm>>
      %dma_start3A_36 = arith.constant 9984 : i32
      %dma_start3A_37 = tpu.memref_slice %arg3[%dma_start3A_36] : memref<10000xi32, #tpu.memory_space<hbm>> -> memref<16xi32, #tpu.memory_space<hbm>>
      tpu.enqueue_dma source(%dma_start3A_37 : memref<16xi32, #tpu.memory_space<hbm>>) target(%arg9 : memref<16xi32, #tpu.memory_space<vmem>>) target_semaphore(%arg13 : memref<!tpu.dma_semaphore, #tpu.memory_space<semaphore_mem>>)
      %dma_start3A_38 = arith.constant 9984 : i32
      %dma_start3A_39 = arith.constant 0 : i32
      %dma_start3A_40 = tpu.memref_slice %arg2[%dma_start3A_38, %dma_start3A_39] : memref<10000x128xf32, #tpu.memory_space<hbm>> -> memref<16x128xf32, #tpu.memory_space<hbm>>
      %dma_start3A_41 = arith.constant 9984 : i32
      %dma_start3A_42 = arith.constant 0 : i32
      %dma_start3A_43 = tpu.memref_slice %arg2[%dma_start3A_41, %dma_start3A_42] : memref<10000x128xf32, #tpu.memory_space<hbm>> -> memref<16x128xf32, #tpu.memory_space<hbm>>
      tpu.enqueue_dma source(%dma_start3A_43 : memref<16x128xf32, #tpu.memory_space<hbm>>) target(%arg8 : memref<16x128xf32, #tpu.memory_space<vmem>>) target_semaphore(%arg12 : memref<!tpu.dma_semaphore, #tpu.memory_space<semaphore_mem>>)
    } else {
    }
    %mul3A_10 = arith.constant 16 : i32
    %mul3A_11 = arith.muli %arg1, %mul3A_10 : i32
    "tpu.region"() ({
      %run_scoped3A = tpu.sem_alloc : memref<!tpu.dma_semaphore, #tpu.memory_space<semaphore_mem>>
      %dma_start3A_34 = arith.constant 0 : i32
      %dma_start3A_35 = tpu.memref_slice %arg14[%mul3A_11, %dma_start3A_34] : memref<256x128xf32, #tpu.memory_space<vmem_shared>> -> memref<16x128xf32, #tpu.memory_space<vmem_shared>>
      tpu.enqueue_dma source(%arg4 : memref<16x128xf32, #tpu.memory_space<hbm>>) target(%dma_start3A_35 : memref<16x128xf32, #tpu.memory_space<vmem_shared>>) target_semaphore(%run_scoped3A : memref<!tpu.dma_semaphore, #tpu.memory_space<semaphore_mem>>)
      %dma_wait3A_36 = arith.constant 0 : i32
      %dma_wait3A_37 = tpu.memref_slice %arg14[%mul3A_11, %dma_wait3A_36] : memref<256x128xf32, #tpu.memory_space<vmem_shared>> -> memref<16x128xf32, #tpu.memory_space<vmem_shared>>
      tpu.wait_dma2 semaphore(%run_scoped3A : memref<!tpu.dma_semaphore, #tpu.memory_space<semaphore_mem>>) src(%arg4 : memref<16x128xf32, #tpu.memory_space<hbm>>) dst(%dma_wait3A_37 : memref<16x128xf32, #tpu.memory_space<vmem_shared>>)
      tpu.yield
    }) : () -> ()
    %barrier3A = arith.constant 0 : index
    tpu.barrier barrier_id(%barrier3A)
    %dma_wait3A = tpu.memref_slice %arg3[%mul3A_2] : memref<10000xi32, #tpu.memory_space<hbm>> -> memref<312xi32, #tpu.memory_space<hbm>>
    %dma_wait3A_12 = tpu.memref_slice %arg3[%mul3A_2] : memref<10000xi32, #tpu.memory_space<hbm>> -> memref<312xi32, #tpu.memory_space<hbm>>
    tpu.wait_dma2 semaphore(%arg11 : memref<!tpu.dma_semaphore, #tpu.memory_space<semaphore_mem>>) src(%dma_wait3A_12 : memref<312xi32, #tpu.memory_space<hbm>>) dst(%arg7 : memref<312xi32, #tpu.memory_space<vmem>>)
    %dma_wait3A_13 = arith.constant 0 : i32
    %dma_wait3A_14 = tpu.memref_slice %arg2[%mul3A_2, %dma_wait3A_13] : memref<10000x128xf32, #tpu.memory_space<hbm>> -> memref<312x128xf32, #tpu.memory_space<hbm>>
    %dma_wait3A_15 = arith.constant 0 : i32
    %dma_wait3A_16 = tpu.memref_slice %arg2[%mul3A_2, %dma_wait3A_15] : memref<10000x128xf32, #tpu.memory_space<hbm>> -> memref<312x128xf32, #tpu.memory_space<hbm>>
    tpu.wait_dma2 semaphore(%arg10 : memref<!tpu.dma_semaphore, #tpu.memory_space<semaphore_mem>>) src(%dma_wait3A_16 : memref<312x128xf32, #tpu.memory_space<hbm>>) dst(%arg6 : memref<312x128xf32, #tpu.memory_space<vmem>>)
    %dma_start3A_17 = arith.constant 0 : i32
    %dma_start3A_18 = arith.constant 0 : i32
    %dma_start3A_19 = tpu.memref_slice %arg14[%dma_start3A_17, %dma_start3A_18] : memref<256x128xf32, #tpu.memory_space<vmem_shared>> -> memref<256x128xf32, #tpu.memory_space<vmem_shared>>
    tpu.enqueue_indirect_dma source(%arg6 : memref<312x128xf32, #tpu.memory_space<vmem>>) target(%dma_start3A_19 : memref<256x128xf32, #tpu.memory_space<vmem_shared>>) offsets(%arg7 : memref<312xi32, #tpu.memory_space<vmem>>) semaphore(%arg10 : memref<!tpu.dma_semaphore, #tpu.memory_space<semaphore_mem>>) {add = true}
    %convert_element_type3A_20 = arith.extui %eq3A_3 : i1 to i32
    %cond3A_21 = arith.constant 0 : i32
    %cond3A_22 = arith.cmpi ne, %convert_element_type3A_20, %cond3A_21 : i32
    scf.if %cond3A_22 {
      %dma_wait3A_34 = arith.constant 9984 : i32
      %dma_wait3A_35 = tpu.memref_slice %arg3[%dma_wait3A_34] : memref<10000xi32, #tpu.memory_space<hbm>> -> memref<16xi32, #tpu.memory_space<hbm>>
      %dma_wait3A_36 = arith.constant 9984 : i32
      %dma_wait3A_37 = tpu.memref_slice %arg3[%dma_wait3A_36] : memref<10000xi32, #tpu.memory_space<hbm>> -> memref<16xi32, #tpu.memory_space<hbm>>
      tpu.wait_dma2 semaphore(%arg13 : memref<!tpu.dma_semaphore, #tpu.memory_space<semaphore_mem>>) src(%dma_wait3A_37 : memref<16xi32, #tpu.memory_space<hbm>>) dst(%arg9 : memref<16xi32, #tpu.memory_space<vmem>>)
      %dma_wait3A_38 = arith.constant 9984 : i32
      %dma_wait3A_39 = arith.constant 0 : i32
      %dma_wait3A_40 = tpu.memref_slice %arg2[%dma_wait3A_38, %dma_wait3A_39] : memref<10000x128xf32, #tpu.memory_space<hbm>> -> memref<16x128xf32, #tpu.memory_space<hbm>>
      %dma_wait3A_41 = arith.constant 9984 : i32
      %dma_wait3A_42 = arith.constant 0 : i32
      %dma_wait3A_43 = tpu.memref_slice %arg2[%dma_wait3A_41, %dma_wait3A_42] : memref<10000x128xf32, #tpu.memory_space<hbm>> -> memref<16x128xf32, #tpu.memory_space<hbm>>
      tpu.wait_dma2 semaphore(%arg12 : memref<!tpu.dma_semaphore, #tpu.memory_space<semaphore_mem>>) src(%dma_wait3A_43 : memref<16x128xf32, #tpu.memory_space<hbm>>) dst(%arg8 : memref<16x128xf32, #tpu.memory_space<vmem>>)
      %dma_start3A_44 = arith.constant 0 : i32
      %dma_start3A_45 = arith.constant 0 : i32
      %dma_start3A_46 = tpu.memref_slice %arg14[%dma_start3A_44, %dma_start3A_45] : memref<256x128xf32, #tpu.memory_space<vmem_shared>> -> memref<256x128xf32, #tpu.memory_space<vmem_shared>>
      tpu.enqueue_indirect_dma source(%arg8 : memref<16x128xf32, #tpu.memory_space<vmem>>) target(%dma_start3A_46 : memref<256x128xf32, #tpu.memory_space<vmem_shared>>) offsets(%arg9 : memref<16xi32, #tpu.memory_space<vmem>>) semaphore(%arg12 : memref<!tpu.dma_semaphore, #tpu.memory_space<semaphore_mem>>) {add = true}
      %dma_wait3A_47 = arith.constant 0 : i32
      %dma_wait3A_48 = arith.constant 0 : i32
      %dma_wait3A_49 = tpu.memref_slice %arg14[%dma_wait3A_47, %dma_wait3A_48] : memref<256x128xf32, #tpu.memory_space<vmem_shared>> -> memref<256x128xf32, #tpu.memory_space<vmem_shared>>
      tpu.wait_indirect_dma semaphore(%arg12 : memref<!tpu.dma_semaphore, #tpu.memory_space<semaphore_mem>>) src(%arg8 : memref<16x128xf32, #tpu.memory_space<vmem>>) dst(%dma_wait3A_49 : memref<256x128xf32, #tpu.memory_space<vmem_shared>>)
    } else {
    }
    %dma_wait3A_23 = arith.constant 0 : i32
    %dma_wait3A_24 = arith.constant 0 : i32
    %dma_wait3A_25 = tpu.memref_slice %arg14[%dma_wait3A_23, %dma_wait3A_24] : memref<256x128xf32, #tpu.memory_space<vmem_shared>> -> memref<256x128xf32, #tpu.memory_space<vmem_shared>>
    tpu.wait_indirect_dma semaphore(%arg10 : memref<!tpu.dma_semaphore, #tpu.memory_space<semaphore_mem>>) src(%arg6 : memref<312x128xf32, #tpu.memory_space<vmem>>) dst(%dma_wait3A_25 : memref<256x128xf32, #tpu.memory_space<vmem_shared>>)
    %barrier3A_26 = arith.constant 0 : index
    tpu.barrier barrier_id(%barrier3A_26)
    %mul3A_27 = arith.constant 256 : i32
    %mul3A_28 = arith.muli %arg0, %mul3A_27 : i32
    %mul3A_29 = arith.constant 16 : i32
    %mul3A_30 = arith.muli %arg1, %mul3A_29 : i32
    %add3A_31 = arith.addi %mul3A_28, %mul3A_30 : i32
    %mul3A_32 = arith.constant 16 : i32
    %mul3A_33 = arith.muli %arg1, %mul3A_32 : i32
    "tpu.region"() ({
      %run_scoped3A = tpu.sem_alloc : memref<!tpu.dma_semaphore, #tpu.memory_space<semaphore_mem>>
      %dma_start3A_34 = arith.constant 0 : i32
      %dma_start3A_35 = tpu.memref_slice %arg5[%add3A_31, %dma_start3A_34] : memref<512x128xf32, #tpu.memory_space<hbm>> -> memref<16x128xf32, #tpu.memory_space<hbm>>
      %dma_start3A_36 = arith.constant 0 : i32
      %dma_start3A_37 = tpu.memref_slice %arg14[%mul3A_33, %dma_start3A_36] : memref<256x128xf32, #tpu.memory_space<vmem_shared>> -> memref<16x128xf32, #tpu.memory_space<vmem_shared>>
      tpu.enqueue_dma source(%dma_start3A_37 : memref<16x128xf32, #tpu.memory_space<vmem_shared>>) target(%dma_start3A_35 : memref<16x128xf32, #tpu.memory_space<hbm>>) target_semaphore(%run_scoped3A : memref<!tpu.dma_semaphore, #tpu.memory_space<semaphore_mem>>)
      %dma_wait3A_38 = arith.constant 0 : i32
      %dma_wait3A_39 = tpu.memref_slice %arg5[%add3A_31, %dma_wait3A_38] : memref<512x128xf32, #tpu.memory_space<hbm>> -> memref<16x128xf32, #tpu.memory_space<hbm>>
      %dma_wait3A_40 = arith.constant 0 : i32
      %dma_wait3A_41 = tpu.memref_slice %arg14[%mul3A_33, %dma_wait3A_40] : memref<256x128xf32, #tpu.memory_space<vmem_shared>> -> memref<16x128xf32, #tpu.memory_space<vmem_shared>>
      tpu.wait_dma2 semaphore(%run_scoped3A : memref<!tpu.dma_semaphore, #tpu.memory_space<semaphore_mem>>) src(%dma_wait3A_41 : memref<16x128xf32, #tpu.memory_space<vmem_shared>>) dst(%dma_wait3A_39 : memref<16x128xf32, #tpu.memory_space<hbm>>)
      tpu.yield
    }) : () -> ()
    return
  }
}

module attributes {stable_mosaic.version = 14 : i64} {
  func.func @_counts_body(%arg0: memref<1x10240xi32, #tpu.memory_space<vmem>>, %arg1: memref<256x1xf32, #tpu.memory_space<vmem>>) attributes {dimension_semantics = [], scalar_prefetch = 0 : i64, scratch_operands = 0 : i64, tpu.core_type = #tpu.core_type<tc>} {
    %get3A = arith.constant 0 : index
    %get3A_0 = arith.constant 0 : index
    %get3A_1 = vector.load %arg0[%get3A, %get3A_0] : memref<1x10240xi32, #tpu.memory_space<vmem>>, vector<1x10240xi32>
    %iota3A = tpu.iota {dimensions = array<i32: 0>} : vector<256x1xi32>
    %eq3A = vector.broadcast %get3A_1 : vector<1x10240xi32> to vector<256x10240xi32>
    %eq3A_2 = vector.broadcast %iota3A : vector<256x1xi32> to vector<256x10240xi32>
    %eq3A_3 = arith.cmpi eq, %eq3A, %eq3A_2 : vector<256x10240xi32>
    %convert_element_type3A = arith.extui %eq3A_3 : vector<256x10240xi1> to vector<256x10240xi32>
    %convert_element_type3A_4 = arith.sitofp %convert_element_type3A : vector<256x10240xi32> to vector<256x10240xf32>
    %reduce_sum3A = arith.constant dense<0.000000e+00> : vector<256xf32>
    %reduce_sum3A_5 = vector.multi_reduction <add>, %convert_element_type3A_4, %reduce_sum3A [1] : vector<256x10240xf32> to vector<256xf32>
    %broadcast_in_dim3A = vector.shape_cast %reduce_sum3A_5 : vector<256xf32> to vector<256x1xf32>
    %swap3A = arith.constant 0 : index
    %swap3A_6 = arith.constant 0 : index
    %swap3A_7 = vector.load %arg1[%swap3A, %swap3A_6] : memref<256x1xf32, #tpu.memory_space<vmem>>, vector<256x1xf32>
    tpu.vector_store %arg1[%swap3A, %swap3A_6], %broadcast_in_dim3A {strides = array<i32>} : memref<256x1xf32, #tpu.memory_space<vmem>>, vector<256x1xf32>,
    return
  }
}

module attributes {stable_mosaic.version = 14 : i64} {
  func.func @_mlp_body(%arg0: memref<512x128xf32, #tpu.memory_space<vmem>>, %arg1: memref<256x1xf32, #tpu.memory_space<vmem>>, %arg2: memref<256x64xf32, #tpu.memory_space<vmem>>, %arg3: memref<192x256xf32, #tpu.memory_space<vmem>>, %arg4: memref<1x256xf32, #tpu.memory_space<vmem>>, %arg5: memref<1x256xf32, #tpu.memory_space<vmem>>, %arg6: memref<1x256xf32, #tpu.memory_space<vmem>>, %arg7: memref<256x64xf32, #tpu.memory_space<vmem>>, %arg8: memref<1x64xf32, #tpu.memory_space<vmem>>, %arg9: memref<256x64xf32, #tpu.memory_space<vmem>>) attributes {dimension_semantics = [], scalar_prefetch = 0 : i64, scratch_operands = 0 : i64, tpu.core_type = #tpu.core_type<tc>} {
    %get3A = arith.constant 0 : index
    %get3A_0 = arith.constant 0 : index
    %get3A_1 = vector.load %arg0[%get3A, %get3A_0] : memref<512x128xf32, #tpu.memory_space<vmem>>, vector<512x128xf32>
    %slice3A = vector.extract_strided_slice %get3A_1 {offsets = [0, 0], sizes = [256, 128], strides = [1, 1]} : vector<512x128xf32> to vector<256x128xf32>
    %slice3A_2 = vector.extract_strided_slice %get3A_1 {offsets = [256, 0], sizes = [256, 128], strides = [1, 1]} : vector<512x128xf32> to vector<256x128xf32>
    %add3A = arith.addf %slice3A, %slice3A_2 : vector<256x128xf32>
    %get3A_3 = arith.constant 0 : index
    %get3A_4 = arith.constant 0 : index
    %get3A_5 = vector.load %arg1[%get3A_3, %get3A_4] : memref<256x1xf32, #tpu.memory_space<vmem>>, vector<256x1xf32>
    %max3A = arith.constant 1.000000e+00 : f32
    %max3A_6 = vector.broadcast %max3A : f32 to vector<256x1xf32>
    %max3A_7 = arith.maximumf %get3A_5, %max3A_6 : vector<256x1xf32>
    %div3A = vector.broadcast %max3A_7 : vector<256x1xf32> to vector<256x128xf32>
    %div3A_8 = arith.divf %add3A, %div3A : vector<256x128xf32>
    %get3A_9 = arith.constant 0 : index
    %get3A_10 = arith.constant 0 : index
    %get3A_11 = vector.load %arg3[%get3A_9, %get3A_10] : memref<192x256xf32, #tpu.memory_space<vmem>>, vector<192x256xf32>
    %get3A_12 = arith.constant 0 : index
    %get3A_13 = arith.constant 0 : index
    %get3A_14 = vector.load %arg2[%get3A_12, %get3A_13] : memref<256x64xf32, #tpu.memory_space<vmem>>, vector<256x64xf32>
    %slice3A_15 = vector.extract_strided_slice %get3A_11 {offsets = [0, 0], sizes = [64, 256], strides = [1, 1]} : vector<192x256xf32> to vector<64x256xf32>
    %dot_general3A = arith.constant dense<0.000000e+00> : vector<256x256xf32>
    %dot_general3A_16 = tpu.matmul %get3A_14, %slice3A_15, %dot_general3A {dimension_numbers = #tpu.dot_dimension_numbers<[1], [0], [0], [1], [0, 0, 1, 1], [], []>, transpose_lhs_hint = false} : vector<256x64xf32>, vector<64x256xf32>, vector<256x256xf32> -> vector<256x256xf32>
    %slice3A_17 = vector.extract_strided_slice %get3A_11 {offsets = [64, 0], sizes = [128, 256], strides = [1, 1]} : vector<192x256xf32> to vector<128x256xf32>
    %dot_general3A_18 = arith.constant dense<0.000000e+00> : vector<256x256xf32>
    %dot_general3A_19 = tpu.matmul %div3A_8, %slice3A_17, %dot_general3A_18 {dimension_numbers = #tpu.dot_dimension_numbers<[1], [0], [0], [1], [0, 0, 1, 1], [], []>, transpose_lhs_hint = false} : vector<256x128xf32>, vector<128x256xf32>, vector<256x256xf32> -> vector<256x256xf32>
    %add3A_20 = arith.addf %dot_general3A_16, %dot_general3A_19 : vector<256x256xf32>
    %get3A_21 = arith.constant 0 : index
    %get3A_22 = arith.constant 0 : index
    %get3A_23 = vector.load %arg4[%get3A_21, %get3A_22] : memref<1x256xf32, #tpu.memory_space<vmem>>, vector<1x256xf32>
    %add3A_24 = vector.broadcast %get3A_23 : vector<1x256xf32> to vector<256x256xf32>
    %add3A_25 = arith.addf %add3A_20, %add3A_24 : vector<256x256xf32>
    %reduce_sum3A = arith.constant dense<0.000000e+00> : vector<256xf32>
    %reduce_sum3A_26 = vector.multi_reduction <add>, %add3A_25, %reduce_sum3A [0] : vector<256x256xf32> to vector<256xf32>
    %broadcast_in_dim3A = vector.shape_cast %reduce_sum3A_26 : vector<256xf32> to vector<1x256xf32>
    %div3A_27 = arith.constant 2.560000e+02 : f32
    %div3A_28 = vector.broadcast %div3A_27 : f32 to vector<1x256xf32>
    %div3A_29 = arith.divf %broadcast_in_dim3A, %div3A_28 : vector<1x256xf32>
    %sub3A = vector.broadcast %div3A_29 : vector<1x256xf32> to vector<256x256xf32>
    %sub3A_30 = arith.subf %add3A_25, %sub3A : vector<256x256xf32>
    %integer_pow3A = arith.mulf %sub3A_30, %sub3A_30 : vector<256x256xf32>
    %reduce_sum3A_31 = arith.constant dense<0.000000e+00> : vector<256xf32>
    %reduce_sum3A_32 = vector.multi_reduction <add>, %integer_pow3A, %reduce_sum3A_31 [0] : vector<256x256xf32> to vector<256xf32>
    %broadcast_in_dim3A_33 = vector.shape_cast %reduce_sum3A_32 : vector<256xf32> to vector<1x256xf32>
    %div3A_34 = arith.constant 2.560000e+02 : f32
    %div3A_35 = vector.broadcast %div3A_34 : f32 to vector<1x256xf32>
    %div3A_36 = arith.divf %broadcast_in_dim3A_33, %div3A_35 : vector<1x256xf32>
    %sub3A_37 = vector.broadcast %div3A_29 : vector<1x256xf32> to vector<256x256xf32>
    %sub3A_38 = arith.subf %add3A_25, %sub3A_37 : vector<256x256xf32>
    %add3A_39 = arith.constant 9.99999974E-6 : f32
    %add3A_40 = vector.broadcast %add3A_39 : f32 to vector<1x256xf32>
    %add3A_41 = arith.addf %div3A_36, %add3A_40 : vector<1x256xf32>
    %rsqrt3A = math.rsqrt %add3A_41 : vector<1x256xf32>
    %mul3A = vector.broadcast %rsqrt3A : vector<1x256xf32> to vector<256x256xf32>
    %mul3A_42 = arith.mulf %sub3A_38, %mul3A : vector<256x256xf32>
    %get3A_43 = arith.constant 0 : index
    %get3A_44 = arith.constant 0 : index
    %get3A_45 = vector.load %arg5[%get3A_43, %get3A_44] : memref<1x256xf32, #tpu.memory_space<vmem>>, vector<1x256xf32>
    %mul3A_46 = vector.broadcast %get3A_45 : vector<1x256xf32> to vector<256x256xf32>
    %mul3A_47 = arith.mulf %mul3A_42, %mul3A_46 : vector<256x256xf32>
    %get3A_48 = arith.constant 0 : index
    %get3A_49 = arith.constant 0 : index
    %get3A_50 = vector.load %arg6[%get3A_48, %get3A_49] : memref<1x256xf32, #tpu.memory_space<vmem>>, vector<1x256xf32>
    %add3A_51 = vector.broadcast %get3A_50 : vector<1x256xf32> to vector<256x256xf32>
    %add3A_52 = arith.addf %mul3A_47, %add3A_51 : vector<256x256xf32>
    %max3A_53 = arith.constant 0.000000e+00 : f32
    %max3A_54 = vector.broadcast %max3A_53 : f32 to vector<256x256xf32>
    %max3A_55 = arith.maximumf %add3A_52, %max3A_54 : vector<256x256xf32>
    %get3A_56 = arith.constant 0 : index
    %get3A_57 = arith.constant 0 : index
    %get3A_58 = vector.load %arg7[%get3A_56, %get3A_57] : memref<256x64xf32, #tpu.memory_space<vmem>>, vector<256x64xf32>
    %dot_general3A_59 = arith.constant dense<0.000000e+00> : vector<256x64xf32>
    %dot_general3A_60 = tpu.matmul %max3A_55, %get3A_58, %dot_general3A_59 {dimension_numbers = #tpu.dot_dimension_numbers<[1], [0], [0], [1], [0, 0, 1, 1], [], []>, transpose_lhs_hint = false} : vector<256x256xf32>, vector<256x64xf32>, vector<256x64xf32> -> vector<256x64xf32>
    %get3A_61 = arith.constant 0 : index
    %get3A_62 = arith.constant 0 : index
    %get3A_63 = vector.load %arg8[%get3A_61, %get3A_62] : memref<1x64xf32, #tpu.memory_space<vmem>>, vector<1x64xf32>
    %add3A_64 = vector.broadcast %get3A_63 : vector<1x64xf32> to vector<256x64xf32>
    %add3A_65 = arith.addf %dot_general3A_60, %add3A_64 : vector<256x64xf32>
    %swap3A = arith.constant 0 : index
    %swap3A_66 = arith.constant 0 : index
    %swap3A_67 = vector.load %arg9[%swap3A, %swap3A_66] : memref<256x64xf32, #tpu.memory_space<vmem>>, vector<256x64xf32>
    tpu.vector_store %arg9[%swap3A, %swap3A_66], %add3A_65 {strides = array<i32>} : memref<256x64xf32, #tpu.memory_space<vmem>>, vector<256x64xf32>,
    return
  }
}

</mosaic_0001>

<sc_bundles>
// kernel: kernel.5.cloned.1.call-start
scs
__scs_entry_jumppad:
0x0: {  	(pc) =	sbr.rel $0x88, $3  }
0x1: {  	(tag) =	ssettag $0x0;
	lr =	simm.s32 $0x1  }
0x2: {  	[smem:$0x3F98] =	sst lr;
	_ =	strace $0xD0000000  }
0x3: {  	_ = 	snop  }
0x4: {  	_ = 	snop  }
0x5: {  	_ = 	snop  }
0x6: {  	_ = 	snop  }
0x7: {  	_ = 	snop  }
__scs_overlays_trampoline_lowered:
0x8: {  	[smem:$0x3FA7] =	sst s0  }
0x9: {  	[smem:$0x3FA8] =	sst s1  }
0xa: {  	[smem:$0x3FA9] =	sst s2  }
0xb: {  	[smem:$0x3FAA] =	sst s3  }
0xc: {  	[smem:$0x3FAB] =	sst s4  }
0xd: {  	[smem:$0x3FAC] =	sst s5  }
0xe: {  	[smem:$0x3FAD] =	sst s6  }
0xf: {  	[smem:$0x3FAE] =	sst s7  }
0x10: {  	[smem:$0x3FAF] =	sst s8  }
0x11: {  	[smem:$0x3FB0] =	sst s9;
	s0 =	simm.s32 @!p0 $0x0  }
0x12: {  	s1 =	sld [smem:$0x3F96];
	s0 =	simm.s32 @p0 $0x1  }
0x13: {  	[smem:$0x3FB1] =	sst s0;
	s0 =	simm.s32 @!p1 $0x0  }
0x14: {  	s2 =	sld [smem:$0x3F95];
	s0 =	simm.s32 @p1 $0x1  }
0x15: {  	[smem:$0x3FB2] =	sst s0;
	s0 =	simm.s32 @!p2 $0x0  }
0x16: {  	s3 =	sld [smem:$0x3FDB];
	s0 =	simm.s32 @p2 $0x1  }
0x17: {  	s4 =	simm.s32 $0x1BF5;
	[smem:$0x3FB4] =	sst s0  }
0x18: {  	s0 =	sld [smem:$0x3F97];
	_ =	swait.ge [sflag:s4], $0x0  }
0x19: {  	s7 =	sld [smem:$0x3F98]  }
0x1a: {  	s8 =	sadd.s32 $0xFFFFE003, lr  }
0x1b: {  	s9 =	sadd.s32 $0xFFFFFEF7, lr;
	s5 =	simm.s32 $0xFFFFFFFF;
	p2 =	slt.u32 s8, $0xFFFFF086  }
0x1c: {  	p1 =	slt.u32 s9, $0xF7A;
	s5 =	simm.s32 @!p2 $0x0  }
0x1d: {  	s5 =	simm.s32 @p1 $0x1;
	p0 =	seq.s32 s7, s2  }
0x1e: {  	s7 =	smul.u32 @!p0 $0xF7A, s2;
	p2 =	seq.s32 @!p0 s5, $0x0  }
0x1f: {  	s9 =	smul.u32 $0xF7A, s1;
	s8 =	simm.s32 @!p0 $0x1BF5;
	p2 =	por !p2, p0  }
0x20: {  	[sflag:s8] =	ssyncset.s32 @!p0 $0xFFFFF086;
	s6 =	sadd.s32 @!p0 s3, s7;
	s7 =	simm.s32 @!p0 $0x108  }
0x21: {  	s3 =	sadd.s32 s3, s9;
	s6 =	sadd.s32 @!p0 $0x88, s6;
	s7 =	simm.s32 @p2 $0x1082  }
0x22: {  	[simem:s7], [sflag:s8] =	dma.local @!p0 [hbm:s6], $0xF7A  }
0x23: {  	s9 =	sor.u32 $0xD0000000, s2;
	s6 =	simm.s32 $0x108;
	_ =	swait.ge @!p0 [sflag:s8], $0x0  }
0x24: {  	s3 =	sadd.s32 $0x88, s3;
	s6 =	simm.s32 @!p1 $0x1082;
	[sflag:s4] =	ssyncset.s32 $0xFFFFF086  }
0x25: {  	[simem:s6], [sflag:s4] =	dma.local [hbm:s3], $0xF7A  }
0x26: {  	[smem:$0x3F98] =	sst s1;
	(tag) =	ssettag s2;
	_ =	strace s9  }
0x27: {  	s1 =	sld [smem:$0x3FA8]  }
0x28: {  	s2 =	sld [smem:$0x3FA9]  }
0x29: {  	s4 =	sld [smem:$0x3FAB]  }
0x2a: {  	p0 =	seq.s32 s5, $0x0;
	s5 =	sld [smem:$0x3FAC]  }
0x2b: {  	s6 =	sld [smem:$0x3FAD]  }
0x2c: {  	s7 =	sld [smem:$0x3FAE]  }
0x2d: {  	s3 =	simm.s32 $0x108;
	s8 =	sld [smem:$0x3FAF]  }
0x2e: {  	s3 =	simm.s32 @!p0 $0x1082;
	s9 =	sld [smem:$0x3FB0]  }
0x2f: {  	lr =	sadd.s32 s0, s3;
	s0 =	sld [smem:$0x3FA7]  }
0x30: {  	s3 =	sld [smem:$0x3FAA]  }
0x31: {  	[smem:$0x3FB3] =	sst s10  }
0x32: {  	s10 =	sld [smem:$0x3FB1];
	_ =	sdelay $0x3  }
0x33: {  	p0 =	seq.s32 s10, $0x1;
	s10 =	sld [smem:$0x3FB3];
	_ =	sdelay $0x3  }
0x34: {  	[smem:$0x3FB3] =	sst s10  }
0x35: {  	s10 =	sld [smem:$0x3FB2];
	_ =	sdelay $0x3  }
0x36: {  	p1 =	seq.s32 s10, $0x1;
	s10 =	sld [smem:$0x3FB3];
	_ =	sdelay $0x3  }
0x37: {  	[smem:$0x3FB3] =	sst s10  }
0x38: {  	s10 =	sld [smem:$0x3FB4]  }
0x39: {  	_ = 	snop;
	(pc) =	sbr.ind lr, $3  }
0x3a: {  	_ = 	snop  }
0x3b: {  	_ = 	snop  }
0x3c: {  	p2 =	seq.s32 s10, $0x1;
	s10 =	sld [smem:$0x3FB3]  }
0x3d: {  	_ =	shalt  }
0x3e: {  	_ =	shalt  }
0x3f: {  	_ =	shalt  }
0x40: {  	_ =	shalt  }
0x41: {  	_ =	shalt  }
0x42: {  	_ =	shalt  }
0x43: {  	_ =	shalt  }
0x44: {  	_ =	shalt  }
0x45: {  	_ =	shalt  }
0x46: {  	_ =	shalt  }
0x47: {  	_ =	shalt  }
0x48: {  	_ =	shalt  }
0x49: {  	_ =	shalt  }
0x4a: {  	_ =	shalt  }
0x4b: {  	_ =	shalt  }
0x4c: {  	_ =	shalt  }
0x4d: {  	_ =	shalt  }
0x4e: {  	_ =	shalt  }
0x4f: {  	_ =	shalt  }
0x50: {  	_ =	shalt  }
0x51: {  	_ =	shalt  }
0x52: {  	_ =	shalt  }
0x53: {  	_ =	shalt  }
0x54: {  	_ =	shalt  }
0x55: {  	_ =	shalt  }
0x56: {  	_ =	shalt  }
0x57: {  	_ =	shalt  }
0x58: {  	_ =	shalt  }
0x59: {  	_ =	shalt  }
0x5a: {  	_ =	shalt  }
0x5b: {  	_ =	shalt  }
0x5c: {  	_ =	shalt  }
0x5d: {  	_ =	shalt  }
0x5e: {  	_ =	shalt  }
0x5f: {  	_ =	shalt  }
0x60: {  	_ =	shalt  }
0x61: {  	_ =	shalt  }
0x62: {  	_ =	shalt  }
0x63: {  	_ =	shalt  }
0x64: {  	_ =	shalt  }
0x65: {  	_ =	shalt  }
0x66: {  	_ =	shalt  }
0x67: {  	_ =	shalt  }
0x68: {  	_ =	shalt  }
0x69: {  	_ =	shalt  }
0x6a: {  	_ =	shalt  }
0x6b: {  	_ =	shalt  }
0x6c: {  	_ =	shalt  }
0x6d: {  	_ =	shalt  }
0x6e: {  	_ =	shalt  }
0x6f: {  	_ =	shalt  }
0x70: {  	_ =	shalt  }
0x71: {  	_ =	shalt  }
0x72: {  	_ =	shalt  }
0x73: {  	_ =	shalt  }
0x74: {  	_ =	shalt  }
0x75: {  	_ =	shalt  }
0x76: {  	_ =	shalt  }
0x77: {  	_ =	shalt  }
0x78: {  	_ =	shalt  }
0x79: {  	_ =	shalt  }
0x7a: {  	_ =	shalt  }
0x7b: {  	_ =	shalt  }
0x7c: {  	_ =	shalt  }
0x7d: {  	_ =	shalt  }
0x7e: {  	_ =	shalt  }
0x7f: {  	_ =	shalt  }
0x80: {  	_ =	shalt  }
0x81: {  	_ =	shalt  }
0x82: {  	_ =	shalt  }
0x83: {  	_ =	shalt  }
0x84: {  	_ =	shalt  }
0x85: {  	_ =	shalt  }
0x86: {  	_ =	shalt  }
0x87: {  	_ =	shalt  }
.Lfunc_end0:
.L_simem_size_0:
called_computation_lowered:
.L_overlay_start_0:
0x88: {  	s2 =	sld [smem:$0x3FD9]  }
0x89: {  	s3 =	sld [smem:$0x3FFE];
	_ =	sdelay $0x1  }
0x8a: {  	s1 =	srdreg.scid  }
0x8b: {  	s0 =	sand.u32 $0x1, s1  }
0x8c: {  	s17 =	sshll.u32 s0, $0xA;
	s2 =	sadd.s32 s3, s2  }
0x8d: {  	s2 =	sadd.s32 s2, s17  }
0x8e: {  	[smem:$0x3FBF] =	sst s2  }
0x8f: {  	_ = 	snop  }
0x90: {  	s2 =	sld [smem:$0x3FC9]  }
0x91: {  	s18 =	sld [smem:$0x3FC7]  }
0x92: {  	s4 =	sld [smem:$0x3FD0];
	(tm) =	ssettm $0x1  }
0x93: {  	s5 =	sld [smem:$0x3FFB];
	_ =	sdelay $0x3  }
0x94: {  	_ =	strace s5  }
0x95: {  	s5 =	sld [smem:$0x3FFC];
	_ =	sdelay $0x3  }
0x96: {  	_ =	strace s5  }
0x97: {  	s5 =	sld [smem:$0x3FFD];
	_ =	sdelay $0x3  }
0x98: {  	_ =	strace s5  }
0x99: {  	_ =	strace $0x8FFFFFFF  }
0x9a: {  	s19 =	sld [smem:$0x3FDB];
	_ =	sdelay $0x1  }
0x9b: {  	s6 =	simm.s32 $_scs_section_size  }
0x9c: {  	s7 =	simm.s32 $_size__tile_overlayer_lowered;
	s8 =	simm.s32 $_tile_overlayer_lowered  }
0x9d: {  	s22 =	simm.s32 $0x1BFF;
	s21 =	sshll.u32 s8, $0x1;
	s5 =	sadd.s32 s6, s19  }
0x9e: {  	s9 =	simm.s32 $0x0;
	s20 =	sshll.u32 s7, $0x1;
	s7 =	sadd.s32 s21, s5  }
0x9f: {  	[timem:s9], [sflag:s22] =	dma.local [hbm:s7], s20  }
0xa0: {  	_ =	swait.ge [sflag:s22], s20  }
0xa1: {  	s6 =	ssub.s32 $0x0, s20;
	[sflag:s22] =	ssyncset.done $0x0  }
0xa2: {  	[sflag:s22] =	ssyncadd.s32 s6;
	_ =	sdelay $0x1  }
0xa3: {  	s23 =	simm.s32 $0x1B8B  }
0xa4: {  	_ =	swait.ge [sflag:s23], $0x1  }
0xa5: {  	[sflag:s23] =	ssyncset.done $0x0  }
0xa6: {  	s25 =	simm.s32 $0x1B8E;
	s24 =	sld [smem:$0x3FFE];
	[sflag:s23] =	ssyncadd.s32 $0xFFFFFFFF  }
0xa7: {  	s26 =	simm.s32 $execute0_lowered;
	[smem:$0x3FD2] =	sst s25  }
0xa8: {  	s7 =	sshll.u32 s26, $0x1;
	_ =	strace $0x80000046;
	[dreg:$0x1] =	wrdreg $0xFFFFFFFF  }
0xa9: {  	s28 =	simm.s32 $_size_execute0_lowered;
	s5 =	sadd.s32 s5, s7;
	[dreg:$0x0] =	wrdreg $0x0  }
0xaa: {  	s7 =	sshll.u32 s28, $0x1;
	[dreg:$0x2] =	wrdreg s5  }
0xab: {  	[dreg:$0x3] =	wrdreg s7  }
0xac: {  	[dreg:$0x4] =	wrdreg $0xC0  }
0xad: {  	_ =	task [dreg:s9], $0x5FFFF  }
0xae: {  	[dreg:$0x1] =	wrdreg $0xFFFFFFFF  }
0xaf: {  	[dreg:$0x0] =	wrdreg $0x60  }
0xb0: {  	[dreg:$0x2] =	wrdreg s2  }
0xb1: {  	[dreg:$0x3] =	wrdreg s18  }
0xb2: {  	[dreg:$0x4] =	wrdreg s4  }
0xb3: {  	[dreg:$0x5] =	wrdreg s24  }
0xb4: {  	[dreg:$0x6] =	wrdreg $0xA6000  }
0xb5: {  	[dreg:$0x7] =	wrdreg $0x9  }
0xb6: {  	_ =	task.clear_ibuf [dreg:s9], $0x8FFFF;
	_ =	strace $0x90000046  }
0xb7: {  	s29 =	simm.s32 $0x9;
	_ =	strace $0x80000048  }
0xb8: {  	_ =	swait.ge [sflag:s29], $0x1  }
0xb9: {  	[sflag:s29] =	ssyncadd.s32 $0xFFFFFFFF  }
0xba: {  	_ =	strace $0x90000048  }
0xbb: {  	_ =	sfence  }
0xbc: {  	s30 =	sld [smem:$0x0];
	_ =	sdelay $0x2  }
0xbd: {  	s31 =	sshll.u32 s1, $0xD;
	s1 =	sshrl.u32 s1, $0x2  }
0xbe: {  	s3 =	sand.u32 $0x4000, s31;
	s1 =	sadd.s32 s1, s30  }
0xbf: {  	s0 =	sor.u32 s3, s0;
	s1 =	sshll.u32 s1, $0x11  }
0xc0: {  	s0 =	sor.u32 s1, s0  }
0xc1: {  	s0 =	sadd.s32 $0x8F2B, s0  }
0xc2: {  	[sflag:s0] =	ssyncadd.remote.s32 $0x1  }
0xc3: {  	_ =	sfence.sel $0xFFFF  }
0xc4: {  	[dreg:$0x0] =	wrdreg $0xFFFFFFFF;
	(pc) =	sbr.abs _section_cstart, $3  }
0xc5: {  	[dreg:$0x1] =	wrdreg $0xFFFFFFFF  }
0xc6: {  	_ =	task.clear_ibuf [dreg:s9], $0x2FFFF;
	_ =	strace $0x9FFFFFFF  }
0xc7: {  	(tm) =	ssettm $0x7FFFFFFF  }
tec
execute0_lowered:
.L_overlay_start_1:
0x0: {  	(tag) =	ssettag $0x1  }
0x1: {  	s8 =	rddreg [dreg:$0x0]  }
0x2: {  	s7 =	rddreg [dreg:$0x1]  }
0x3: {  	s2 =	rddreg [dreg:$0x2]  }
0x4: {  	s0 =	srdreg.scid;
	s23 =	rddreg [dreg:$0x3]  }
0x5: {  	s3 =	rddreg [dreg:$0x4];
	s22 =	sand.u32 $0x1, s0  }
0x6: {  	s4 =	simm.s32 $0x0;
	s0 =	stileid.u32;
	s1 =	sshll.u32 s22, $0x4  }
0x7: {  	s9 =	simm.s32 $0x9C00;
	[smem:$0x7FF] =	sst s4;
	s10 =	sor.u32 s0, s1  }
0x8: {  	s11 =	sshll.u32 s0, $0xB;
	s29 =	sshll.u32 s0, $0x6;
	s5 =	smul.u32 $0x27, s10  }
0x9: {  	s1 =	rddreg [dreg:$0x5];
	_ =	strace $0x80000047;
	s13 =	sadd.s32 s11, s3  }
0xa: {  	s6 =	smul.u32 $0x1380, s10;
	p0 =	sne.s32 s10, $0x1F;
	s5 =	sadd.s32 s7, s5  }
0xb: {  	[tilespmem:s9], [sflag:$0x2] =	stream.linear.gather [hbm4b:s5+s4], $0x138, $0x38;
	[tilespmem:$0xAE00] =	vst v63  }
0xc: {  	s10 =	sor.u32 $0x1C05, s29;
	s14 =	sshrl.u32 s13, $0x3;
	s6 =	sadd.s32 s8, s6  }
0xd: {  	[tilespmem:s4], [sflag:$0x1] =	stream.linear.gather [hbm4b:s6+s4], $0x9C00, $0x38;
	[tilespmem:$0xAE00] =	vst v63  }
0xe: {  	s11 =	simm.s32 @!p0 $0x0;
	s12 =	simm.s32 @!p0 $0xA580;
	s7 =	sadd.s32 $0x4E0, s7  }
0xf: {  	[tilespmem:s12], [sflag:$0x4] =	stream.linear.gather @!p0 [hbm4b:s7+s11], $0x10, $0x38;
	[tilespmem:$0xAE00] =	vst v63  }
0x10: {  	s13 =	simm.s32 $0x5;
	s15 =	simm.s32 @!p0 $0x9D80;
	s8 =	sadd.s32 $0x27000, s8  }
0x11: {  	[tilespmem:s15], [sflag:$0x3] =	stream.linear.gather @!p0 [hbm4b:s8+s11], $0x800, $0x38;
	[tilespmem:$0xAE00] =	vst v63  }
0x12: {  	[spmem:s14], [sflag:s10] =	dma.local [hbm:s2], $0x100  }
0x13: {  	_ =	swait.ge [sflag:s13], $0x100  }
0x14: {  	[sflag:s13] =	ssyncset.done $0x0  }
0x15: {  	[sflag:s13] =	ssyncadd.s32 $0xFFFFFF00  }
0x16: {  	s16 =	simm.s32 $0x2;
	[bflag:$0x0] =	sbarrier.arrive $0xFFFF  }
0x17: {  	_ =	swait.ge [sflag:s16], $0x138  }
0x18: {  	[sflag:s16] =	ssyncset.done $0x0  }
0x19: {  	s17 =	simm.s32 $0x1;
	[sflag:s16] =	ssyncadd.s32 $0xFFFFFEC8  }
0x1a: {  	_ =	swait.ge [sflag:s17], $0x9C00  }
0x1b: {  	[sflag:s17] =	ssyncset.done $0x0  }
0x1c: {  	s18 =	simm.s32 $0x138;
	s19 =	simm.s32 @!p0 $0x4;
	[sflag:s17] =	ssyncadd.s32 $0xFFFF6400  }
0x1d: {  	[spmem:s3] =	stream.indirect.scatter.add.f32 [tilespmem:s4], [sflag:$0x1], $0x80, s9, s18, $0xb8;
	[tilespmem:$0xAE00] =	vst v63  }
0x1e: {  	_ =	swait.ge @!p0 [sflag:s19], $0x10  }
0x1f: {  	[sflag:s19] =	ssyncset.done @!p0 $0x0  }
0x20: {  	s20 =	simm.s32 @!p0 $0x3;
	[sflag:s19] =	ssyncadd.s32 @!p0 $0xFFFFFFF0  }
0x21: {  	_ =	swait.ge @!p0 [sflag:s20], $0x800  }
0x22: {  	[sflag:s20] =	ssyncset.done @!p0 $0x0  }
0x23: {  	s25 =	ssub.s32 $0x2, s22;
	s21 =	simm.s32 @!p0 $0x10;
	[sflag:s20] =	ssyncadd.s32 @!p0 $0xFFFFF800  }
0x24: {  	[spmem:s3] =	stream.indirect.scatter.add.f32 @!p0 [tilespmem:s15], [sflag:$0x3], $0x80, s12, s21, $0xb8;
	[tilespmem:$0xAE00] =	vst v63  }
0x25: {  	s24 =	sshll.u32 s0, $0x8;
	s30 =	sshrl.u32 s25, $0x1;
	_ =	swait.ge @!p0 [sflag:s20], $0x800  }
0x26: {  	s23 =	sadd.s32 s24, s23;
	s24 =	ssub.s32 s25, s30;
	[sflag:s20] =	ssyncset.done @!p0 $0x0  }
0x27: {  	s22 =	sshll.u32 s22, $0xC;
	s31 =	smax.u32 s24, $0x1;
	[sflag:s20] =	ssyncadd.s32 @!p0 $0xFFFFF800  }
0x28: {  	s22 =	sadd.s32 s22, s23;
	s23 =	sadd.s32 $0xFFFFFFFF, s31;
	_ =	swait.ge [sflag:s17], $0x9C00  }
0x29: {  	p1 =	sne.s32 s23, $0x0;
	[sflag:s17] =	ssyncset.done $0x0  }
.Ltmp0:
0x2a: {  	[sflag:s17] =	ssyncadd.s32 $0xFFFF6400;
	(pc) =	sbr.rel @!p1 .LBB2_2-.Ltmp0, $4  }
0x2b: {  	s22 =	sadd.s32 $0x1600, s22;
	[bflag:$0x0] =	sbarrier.arrive $0xFFFF  }
0x2c: {  	[hbm:s22], [sflag:s10] =	dma.local [spmem:s14], $0x100  }
0x2d: {  	_ =	swait.ge [sflag:s13], $0x100  }
0x2e: {  	[sflag:s13] =	ssyncset.done $0x0  }
.LBB2_1:
0x2f: {  	s23 =	sadd.s32 $0xFFFFFFFF, s23;
	[sflag:s13] =	ssyncadd.s32 $0xFFFFFF00  }
0x30: {  	[tilespmem:s9], [sflag:$0x2] =	stream.linear.gather [hbm4b:s5+s4], $0x138, $0x38;
	[tilespmem:$0xAE00] =	vst v63  }
0x31: {  	p1 =	sne.s32 s23, $0x0  }
0x32: {  	[tilespmem:s4], [sflag:$0x1] =	stream.linear.gather [hbm4b:s6+s4], $0x9C00, $0x38;
	[tilespmem:$0xAE00] =	vst v63  }
0x33: {  	_ = 	snop  }
0x34: {  	[tilespmem:s12], [sflag:$0x4] =	stream.linear.gather @!p0 [hbm4b:s7+s11], $0x10, $0x38;
	[tilespmem:$0xAE00] =	vst v63  }
0x35: {  	_ = 	snop  }
0x36: {  	[tilespmem:s15], [sflag:$0x3] =	stream.linear.gather @!p0 [hbm4b:s8+s11], $0x800, $0x38;
	[tilespmem:$0xAE00] =	vst v63  }
0x37: {  	[spmem:s14], [sflag:s10] =	dma.local [hbm:s2], $0x100  }
0x38: {  	_ =	swait.ge [sflag:s13], $0x100  }
0x39: {  	[sflag:s13] =	ssyncset.done $0x0  }
0x3a: {  	[sflag:s13] =	ssyncadd.s32 $0xFFFFFF00  }
0x3b: {  	[bflag:$0x0] =	sbarrier.arrive $0xFFFF  }
0x3c: {  	_ =	swait.ge [sflag:s16], $0x138  }
0x3d: {  	[sflag:s16] =	ssyncset.done $0x0  }
0x3e: {  	[sflag:s16] =	ssyncadd.s32 $0xFFFFFEC8  }
0x3f: {  	_ =	swait.ge [sflag:s17], $0x9C00  }
0x40: {  	[sflag:s17] =	ssyncset.done $0x0  }
0x41: {  	[sflag:s17] =	ssyncadd.s32 $0xFFFF6400  }
0x42: {  	[spmem:s3] =	stream.indirect.scatter.add.f32 [tilespmem:s4], [sflag:$0x1], $0x80, s9, s18, $0xb8;
	[tilespmem:$0xAE00] =	vst v63  }
0x43: {  	_ =	swait.ge @!p0 [sflag:s19], $0x10  }
0x44: {  	[sflag:s19] =	ssyncset.done @!p0 $0x0  }
0x45: {  	[sflag:s19] =	ssyncadd.s32 @!p0 $0xFFFFFFF0  }
0x46: {  	_ =	swait.ge @!p0 [sflag:s20], $0x800  }
0x47: {  	[sflag:s20] =	ssyncset.done @!p0 $0x0  }
0x48: {  	[sflag:s20] =	ssyncadd.s32 @!p0 $0xFFFFF800  }
0x49: {  	[spmem:s3] =	stream.indirect.scatter.add.f32 @!p0 [tilespmem:s15], [sflag:$0x3], $0x80, s12, s21, $0xb8;
	[tilespmem:$0xAE00] =	vst v63  }
0x4a: {  	_ =	swait.ge @!p0 [sflag:s20], $0x800  }
0x4b: {  	[sflag:s20] =	ssyncset.done @!p0 $0x0  }
0x4c: {  	[sflag:s20] =	ssyncadd.s32 @!p0 $0xFFFFF800  }
0x4d: {  	_ =	swait.ge [sflag:s17], $0x9C00  }
0x4e: {  	[sflag:s17] =	ssyncset.done $0x0  }
.Ltmp1:
0x4f: {  	[sflag:s17] =	ssyncadd.s32 $0xFFFF6400;
	(pc) =	sbr.rel @p1 .LBB2_1-.Ltmp1, $4  }
0x50: {  	[bflag:$0x0] =	sbarrier.arrive $0xFFFF  }
0x51: {  	[hbm:s22], [sflag:s10] =	dma.local [spmem:s14], $0x100  }
0x52: {  	_ =	swait.ge [sflag:s13], $0x100  }
0x53: {  	[sflag:s13] =	ssyncset.done $0x0  }
.LBB2_2:
0x54: {  	[sflag:s13] =	ssyncadd.s32 $0xFFFFFF00  }
0x55: {  	_ =	sfence.sel $0x180000  }
0x56: {  	[bflag:$0x0] =	sbarrier.arrive $0xFFFF  }
0x57: {  	p0 =	sne.s32 s0, $0x0;
	_ =	strace $0x90000047  }
0x58: {  	s0 =	sadd.s32 @!p0 $0x100000, s1;
	[bflag:$0x2] =	sbarrier.arrive $0xFFFF  }
0x59: {  	[sflag:s0] =	ssyncadd.tile.s32 @!p0 $0x1;
	_ =	shalt  }
.Lfunc_end2:
_tile_overlayer_lowered:
.L_overlay_start_2:
0x5a: {  	(tag) =	ssettag $0x2  }
0x5b: {  	s0 =	rddreg [dreg:$0x0];
	s2 =	stileid.u32  }
0x5c: {  	s1 =	rddreg [dreg:$0x1];
	p0 =	sne.s32 s2, $0x0  }
0x5d: {  	s3 =	rddreg [dreg:$0x2];
	[bflag:$0x3] =	sbarrier.arrive $0xFFFF;
	s2 =	simm.s32 @!p0 $0x1C05  }
0x5e: {  	[timem:s3], [sflag:s2] =	dma.local @!p0 [hbm:s0], s1  }
0x5f: {  	s0 =	simm.s32 @!p0 $0x5  }
0x60: {  	_ =	swait.ge @!p0 [sflag:s0], s1  }
0x61: {  	s1 =	ssub.s32 @!p0 $0x0, s1;
	[sflag:s0] =	ssyncset.done @!p0 $0x0  }
0x62: {  	[sflag:s0] =	ssyncadd.s32 @!p0 s1  }
0x63: {  	[bflag:$0x3] =	sbarrier.arrive $0xFFFF  }
0x64: {  	_ =	shalt  }

</sc_bundles>
